<compile_context>
chip_gen: v7x
topology: tpu7x:2x2x1
jax: 0.10.2.dev20260603
libtpu: 0.0.44.dev20260713+nightly
codegen_flags: <defaults>
</compile_context>

<pallas_src>
import jax
import jax.numpy as jnp
from jax import lax
from jax.experimental import pallas as pl
from jax.experimental.pallas import tpu as pltpu
from jax.experimental.pallas import tpu_sc as plsc

VOCAB = 1000
EMBED_DIM = 128
BATCH = 4096
HIST = 200

_B = BATCH * HIST
_NC = 2
_NS = 16
_NW = _NC * _NS
_PER_W = _B // _NW
_C = 128
_N_CHUNKS = _PER_W // _C
_NBUF = 4
_N_OUTER = _N_CHUNKS // _NBUF


def _gather_kernel(
    table_hbm, idx_hbm, out_hbm, tab_sh, idx_v, rows_v, sem_g, sem_o
):
    sid = lax.axis_index("s")
    wid = sid * _NC + lax.axis_index("c")
    base = wid * _PER_W

    @pl.when(sid < 7)
    def _stage_table():
        pltpu.sync_copy(
            table_hbm.at[pl.ds(sid * 128, 128)],
            tab_sh.at[pl.ds(sid * 128, 128)],
        )

    @pl.when(sid == 7)
    def _stage_tail():
        pltpu.sync_copy(
            table_hbm.at[pl.ds(896, 104)], tab_sh.at[pl.ds(896, 104)]
        )

    pltpu.sync_copy(idx_hbm.at[wid], idx_v)
    plsc.subcore_barrier()

    def outer_body(outer, carry):
        for b in range(_NBUF):
            g = outer * _NBUF + b

            @pl.when(outer > 0)
            def _reclaim():
                pltpu.make_async_copy(
                    rows_v.at[b], out_hbm.at[pl.ds(base, _C)], sem_o
                ).wait()

            pltpu.async_copy(tab_sh.at[idx_v.at[g]], rows_v.at[b], sem_g)

        for b in range(_NBUF):
            g = outer * _NBUF + b
            pltpu.make_async_copy(
                tab_sh.at[idx_v.at[g]], rows_v.at[b], sem_g
            ).wait()
            pltpu.async_copy(
                rows_v.at[b], out_hbm.at[pl.ds(base + g * _C, _C)], sem_o
            )
        return carry

    lax.fori_loop(0, _N_OUTER, outer_body, 0)

    for b in range(_NBUF):
        pltpu.make_async_copy(
            rows_v.at[b], out_hbm.at[pl.ds(base, _C)], sem_o
        ).wait()


@jax.jit
def kernel(word_sequences, embedding_table):
    idx3 = word_sequences.reshape(_NW, _N_CHUNKS, _C)
    mesh = plsc.VectorSubcoreMesh(core_axis_name="c", subcore_axis_name="s")
    run = pl.kernel(
        _gather_kernel,
        mesh=mesh,
        out_type=jax.ShapeDtypeStruct((_B, EMBED_DIM), jnp.float32),
        scratch_types=[
            pltpu.VMEM_SHARED((VOCAB, EMBED_DIM), jnp.float32),
            pltpu.VMEM((_N_CHUNKS, _C), jnp.int32),
            pltpu.VMEM((_NBUF, _C, EMBED_DIM), jnp.float32),
            pltpu.SemaphoreType.DMA,
            pltpu.SemaphoreType.DMA,
        ],
    )
    out = run(embedding_table, idx3)
    return out.reshape(BATCH, HIST, EMBED_DIM)

# --- scband reference (transcript-rebuilt; emitter-appended) ---
"""Pipeline reference for scband-default-lexer-32066225832408 (READ-ONLY COPY).

The authoritative reference and input builder live on the scoring server;
editing this copy changes nothing except your own understanding.
"""

import jax, jax.numpy as jnp
import numpy as np

VOCAB = 1000
EMBED_DIM = 128
BATCH = 4096
HIST = 200
PAD_IDX = 0

def setup_inputs(seed: int = 0):
    key = jax.random.key(seed)
    k_idx, k_tab = jax.random.split(key)
    # indices kept safely below vocab size (fill_max=512 < 1000)
    word_sequences = jax.random.randint(k_idx, (BATCH, HIST), 0, 512, dtype=jnp.int32)
    embedding_table = jax.random.normal(k_tab, (VOCAB, EMBED_DIM), dtype=jnp.float32) * 0.02
    # nn.Embedding padding_idx row is zero-initialized
    embedding_table = embedding_table.at[PAD_IDX].set(0.0)
    return {"word_sequences": word_sequences, "embedding_table": embedding_table}

def reference(word_sequences, embedding_table):
    # DefaultLexer.forward in eval mode: _dpout == 0.0 so integer_dropout is skipped;
    # the forward pass is a pure embedding gather.
    return jnp.take(embedding_table, word_sequences, axis=0)

if __name__ == "__main__":
    import jax
    _d = setup_inputs()
    print(jax.jit(kernel)(*tuple(_d.values())))

</pallas_src>

<mosaic_0001>
#map = affine_map<(d0, d1) -> (0, 0)>
#map1 = affine_map<(d0, d1) -> (0, 0, 0)>
module attributes {stable_mosaic.version = 14 : i64} {
  func.func @_gather_kernel(%arg0: i32, %arg1: i32, %arg2: memref<1000x128xf32, #tpu.memory_space<hbm>>, %arg3: memref<32x200x128xi32, #tpu.memory_space<hbm>>, %arg4: memref<819200x128xf32, #tpu.memory_space<hbm>>, %arg5: memref<1000x128xf32, #tpu.memory_space<vmem_shared>>, %arg6: memref<200x128xi32, #tpu.memory_space<vmem>>, %arg7: memref<4x128x128xf32, #tpu.memory_space<vmem>>, %arg8: memref<!tpu.dma_semaphore, #tpu.memory_space<semaphore_mem>>, %arg9: memref<!tpu.dma_semaphore, #tpu.memory_space<semaphore_mem>>) attributes {dimension_semantics = [#tpu.dimension_semantics<core_parallel>, #tpu.dimension_semantics<subcore_parallel>], iteration_bounds = array<i64: 2, 16>, scalar_prefetch = 0 : i64, scratch_operands = 5 : i64, tpu.core_type = #tpu.core_type<sc_vector_subcore>, window_params = [{transform_indices = #map}, {transform_indices = #map1}, {transform_indices = #map}]} {
    %mul3A = arith.constant 2 : i32
    %mul3A_0 = arith.muli %arg1, %mul3A : i32
    %add3A = arith.addi %mul3A_0, %arg0 : i32
    %mul3A_1 = arith.constant 25600 : i32
    %mul3A_2 = arith.muli %add3A, %mul3A_1 : i32
    %lt3A = arith.constant 7 : i32
    %lt3A_3 = arith.cmpi slt, %arg1, %lt3A : i32
    %convert_element_type3A = arith.extui %lt3A_3 : i1 to i32
    %cond3A = arith.constant 0 : i32
    %cond3A_4 = arith.cmpi ne, %convert_element_type3A, %cond3A : i32
    scf.if %cond3A_4 {
      %mul3A_65 = arith.constant 128 : i32
      %mul3A_66 = arith.muli %arg1, %mul3A_65 : i32
      %mul3A_67 = arith.constant 128 : i32
      %mul3A_68 = arith.muli %arg1, %mul3A_67 : i32
      "tpu.region"() ({
        %run_scoped3A = tpu.sem_alloc : memref<!tpu.dma_semaphore, #tpu.memory_space<semaphore_mem>>
        %dma_start3A = arith.constant 0 : i32
        %dma_start3A_69 = tpu.memref_slice %arg5[%mul3A_68, %dma_start3A] : memref<1000x128xf32, #tpu.memory_space<vmem_shared>> -> memref<128x128xf32, #tpu.memory_space<vmem_shared>>
        %dma_start3A_70 = arith.constant 0 : i32
        %dma_start3A_71 = tpu.memref_slice %arg2[%mul3A_66, %dma_start3A_70] : memref<1000x128xf32, #tpu.memory_space<hbm>> -> memref<128x128xf32, #tpu.memory_space<hbm>>
        tpu.enqueue_dma source(%dma_start3A_71 : memref<128x128xf32, #tpu.memory_space<hbm>>) target(%dma_start3A_69 : memref<128x128xf32, #tpu.memory_space<vmem_shared>>) target_semaphore(%run_scoped3A : memref<!tpu.dma_semaphore, #tpu.memory_space<semaphore_mem>>)
        %dma_wait3A_72 = arith.constant 0 : i32
        %dma_wait3A_73 = tpu.memref_slice %arg5[%mul3A_68, %dma_wait3A_72] : memref<1000x128xf32, #tpu.memory_space<vmem_shared>> -> memref<128x128xf32, #tpu.memory_space<vmem_shared>>
        %dma_wait3A_74 = arith.constant 0 : i32
        %dma_wait3A_75 = tpu.memref_slice %arg2[%mul3A_66, %dma_wait3A_74] : memref<1000x128xf32, #tpu.memory_space<hbm>> -> memref<128x128xf32, #tpu.memory_space<hbm>>
        tpu.wait_dma2 semaphore(%run_scoped3A : memref<!tpu.dma_semaphore, #tpu.memory_space<semaphore_mem>>) src(%dma_wait3A_75 : memref<128x128xf32, #tpu.memory_space<hbm>>) dst(%dma_wait3A_73 : memref<128x128xf32, #tpu.memory_space<vmem_shared>>)
        tpu.yield
      }) : () -> ()
    } else {
    }
    %eq3A = arith.constant 7 : i32
    %eq3A_5 = arith.cmpi eq, %arg1, %eq3A : i32
    %convert_element_type3A_6 = arith.extui %eq3A_5 : i1 to i32
    %cond3A_7 = arith.constant 0 : i32
    %cond3A_8 = arith.cmpi ne, %convert_element_type3A_6, %cond3A_7 : i32
    scf.if %cond3A_8 {
      "tpu.region"() ({
        %run_scoped3A = tpu.sem_alloc : memref<!tpu.dma_semaphore, #tpu.memory_space<semaphore_mem>>
        %dma_start3A = arith.constant 896 : i32
        %dma_start3A_65 = arith.constant 0 : i32
        %dma_start3A_66 = tpu.memref_slice %arg5[%dma_start3A, %dma_start3A_65] : memref<1000x128xf32, #tpu.memory_space<vmem_shared>> -> memref<104x128xf32, #tpu.memory_space<vmem_shared>>
        %dma_start3A_67 = arith.constant 896 : i32
        %dma_start3A_68 = arith.constant 0 : i32
        %dma_start3A_69 = tpu.memref_slice %arg2[%dma_start3A_67, %dma_start3A_68] : memref<1000x128xf32, #tpu.memory_space<hbm>> -> memref<104x128xf32, #tpu.memory_space<hbm>>
        tpu.enqueue_dma source(%dma_start3A_69 : memref<104x128xf32, #tpu.memory_space<hbm>>) target(%dma_start3A_66 : memref<104x128xf32, #tpu.memory_space<vmem_shared>>) target_semaphore(%run_scoped3A : memref<!tpu.dma_semaphore, #tpu.memory_space<semaphore_mem>>)
        %dma_wait3A_70 = arith.constant 896 : i32
        %dma_wait3A_71 = arith.constant 0 : i32
        %dma_wait3A_72 = tpu.memref_slice %arg5[%dma_wait3A_70, %dma_wait3A_71] : memref<1000x128xf32, #tpu.memory_space<vmem_shared>> -> memref<104x128xf32, #tpu.memory_space<vmem_shared>>
        %dma_wait3A_73 = arith.constant 896 : i32
        %dma_wait3A_74 = arith.constant 0 : i32
        %dma_wait3A_75 = tpu.memref_slice %arg2[%dma_wait3A_73, %dma_wait3A_74] : memref<1000x128xf32, #tpu.memory_space<hbm>> -> memref<104x128xf32, #tpu.memory_space<hbm>>
        tpu.wait_dma2 semaphore(%run_scoped3A : memref<!tpu.dma_semaphore, #tpu.memory_space<semaphore_mem>>) src(%dma_wait3A_75 : memref<104x128xf32, #tpu.memory_space<hbm>>) dst(%dma_wait3A_72 : memref<104x128xf32, #tpu.memory_space<vmem_shared>>)
        tpu.yield
      }) : () -> ()
    } else {
    }
    "tpu.region"() ({
      %run_scoped3A = tpu.sem_alloc : memref<!tpu.dma_semaphore, #tpu.memory_space<semaphore_mem>>
      %dma_start3A = arith.constant 0 : i32
      %dma_start3A_65 = arith.constant 0 : i32
      %dma_start3A_66 = tpu.memref_slice %arg3[%add3A, %dma_start3A, %dma_start3A_65] : memref<32x200x128xi32, #tpu.memory_space<hbm>> -> memref<1x200x128xi32, #tpu.memory_space<hbm>>
      %dma_start3A_67 = tpu.memref_squeeze %dma_start3A_66 : memref<1x200x128xi32, #tpu.memory_space<hbm>> -> memref<200x128xi32, #tpu.memory_space<hbm>>
      %dma_start3A_68 = arith.constant 0 : i32
      %dma_start3A_69 = arith.constant 0 : i32
      %dma_start3A_70 = tpu.memref_slice %arg3[%add3A, %dma_start3A_68, %dma_start3A_69] : memref<32x200x128xi32, #tpu.memory_space<hbm>> -> memref<1x200x128xi32, #tpu.memory_space<hbm>>
      %dma_start3A_71 = tpu.memref_squeeze %dma_start3A_70 : memref<1x200x128xi32, #tpu.memory_space<hbm>> -> memref<200x128xi32, #tpu.memory_space<hbm>>
      tpu.enqueue_dma source(%dma_start3A_71 : memref<200x128xi32, #tpu.memory_space<hbm>>) target(%arg6 : memref<200x128xi32, #tpu.memory_space<vmem>>) target_semaphore(%run_scoped3A : memref<!tpu.dma_semaphore, #tpu.memory_space<semaphore_mem>>)
      %dma_wait3A_72 = arith.constant 0 : i32
      %dma_wait3A_73 = arith.constant 0 : i32
      %dma_wait3A_74 = tpu.memref_slice %arg3[%add3A, %dma_wait3A_72, %dma_wait3A_73] : memref<32x200x128xi32, #tpu.memory_space<hbm>> -> memref<1x200x128xi32, #tpu.memory_space<hbm>>
      %dma_wait3A_75 = tpu.memref_squeeze %dma_wait3A_74 : memref<1x200x128xi32, #tpu.memory_space<hbm>> -> memref<200x128xi32, #tpu.memory_space<hbm>>
      %dma_wait3A_76 = arith.constant 0 : i32
      %dma_wait3A_77 = arith.constant 0 : i32
      %dma_wait3A_78 = tpu.memref_slice %arg3[%add3A, %dma_wait3A_76, %dma_wait3A_77] : memref<32x200x128xi32, #tpu.memory_space<hbm>> -> memref<1x200x128xi32, #tpu.memory_space<hbm>>
      %dma_wait3A_79 = tpu.memref_squeeze %dma_wait3A_78 : memref<1x200x128xi32, #tpu.memory_space<hbm>> -> memref<200x128xi32, #tpu.memory_space<hbm>>
      tpu.wait_dma2 semaphore(%run_scoped3A : memref<!tpu.dma_semaphore, #tpu.memory_space<semaphore_mem>>) src(%dma_wait3A_79 : memref<200x128xi32, #tpu.memory_space<hbm>>) dst(%arg6 : memref<200x128xi32, #tpu.memory_space<vmem>>)
      tpu.yield
    }) : () -> ()
    %barrier3A = arith.constant 0 : index
    tpu.barrier barrier_id(%barrier3A)
    %scan3A = arith.constant 0 : i32
    %scan3A_9 = arith.constant 0 : i32
    %scan3A_10 = arith.constant 50 : i32
    %scan3A_11 = arith.addi %scan3A_9, %scan3A_10 : i32
    %scan3A_12 = arith.constant 1 : i32
    scf.for %scan3A_65 = %scan3A_9 to %scan3A_11 step %scan3A_12  : i32 {
      %mul3A_66 = arith.constant 4 : i32
      %mul3A_67 = arith.muli %scan3A_65, %mul3A_66 : i32
      %add3A_68 = arith.constant 0 : i32
      %add3A_69 = arith.addi %mul3A_67, %add3A_68 : i32
      %gt3A = arith.constant 0 : i32
      %gt3A_70 = arith.cmpi sgt, %scan3A_65, %gt3A : i32
      %convert_element_type3A_71 = arith.extui %gt3A_70 : i1 to i32
      %cond3A_72 = arith.constant 0 : i32
      %cond3A_73 = arith.cmpi ne, %convert_element_type3A_71, %cond3A_72 : i32
      scf.if %cond3A_73 {
        %dma_wait3A_268 = arith.constant 0 : i32
        %dma_wait3A_269 = arith.constant 0 : i32
        %dma_wait3A_270 = arith.constant 0 : i32
        %dma_wait3A_271 = tpu.memref_slice %arg7[%dma_wait3A_268, %dma_wait3A_269, %dma_wait3A_270] : memref<4x128x128xf32, #tpu.memory_space<vmem>> -> memref<1x128x128xf32, #tpu.memory_space<vmem>>
        %dma_wait3A_272 = tpu.memref_squeeze %dma_wait3A_271 : memref<1x128x128xf32, #tpu.memory_space<vmem>> -> memref<128x128xf32, #tpu.memory_space<vmem>>
        %dma_wait3A_273 = arith.constant 0 : i32
        %dma_wait3A_274 = tpu.memref_slice %arg4[%mul3A_2, %dma_wait3A_273] : memref<819200x128xf32, #tpu.memory_space<hbm>> -> memref<128x128xf32, #tpu.memory_space<hbm>>
        %dma_wait3A_275 = arith.constant 0 : i32
        %dma_wait3A_276 = tpu.memref_slice %arg4[%mul3A_2, %dma_wait3A_275] : memref<819200x128xf32, #tpu.memory_space<hbm>> -> memref<128x128xf32, #tpu.memory_space<hbm>>
        %dma_wait3A_277 = arith.constant 0 : i32
        %dma_wait3A_278 = arith.constant 0 : i32
        %dma_wait3A_279 = tpu.memref_slice %arg7[%dma_wait3A_268, %dma_wait3A_277, %dma_wait3A_278] : memref<4x128x128xf32, #tpu.memory_space<vmem>> -> memref<1x128x128xf32, #tpu.memory_space<vmem>>
        %dma_wait3A_280 = tpu.memref_squeeze %dma_wait3A_279 : memref<1x128x128xf32, #tpu.memory_space<vmem>> -> memref<128x128xf32, #tpu.memory_space<vmem>>
        tpu.wait_dma2 semaphore(%arg9 : memref<!tpu.dma_semaphore, #tpu.memory_space<semaphore_mem>>) src(%dma_wait3A_280 : memref<128x128xf32, #tpu.memory_space<vmem>>) dst(%dma_wait3A_276 : memref<128x128xf32, #tpu.memory_space<hbm>>)
      } else {
      }
      %dma_start3A = arith.constant 0 : i32
      %dma_start3A_74 = arith.constant 0 : i32
      %dma_start3A_75 = arith.constant 0 : i32
      %dma_start3A_76 = tpu.memref_slice %arg7[%dma_start3A, %dma_start3A_74, %dma_start3A_75] : memref<4x128x128xf32, #tpu.memory_space<vmem>> -> memref<1x128x128xf32, #tpu.memory_space<vmem>>
      %dma_start3A_77 = tpu.memref_squeeze %dma_start3A_76 : memref<1x128x128xf32, #tpu.memory_space<vmem>> -> memref<128x128xf32, #tpu.memory_space<vmem>>
      %dma_start3A_78 = arith.constant 0 : i32
      %dma_start3A_79 = tpu.memref_slice %arg6[%add3A_69, %dma_start3A_78] : memref<200x128xi32, #tpu.memory_space<vmem>> -> memref<1x128xi32, #tpu.memory_space<vmem>>
      %dma_start3A_80 = tpu.memref_squeeze %dma_start3A_79 : memref<1x128xi32, #tpu.memory_space<vmem>> -> memref<128xi32, #tpu.memory_space<vmem>>
      %dma_start3A_81 = arith.constant 0 : i32
      %dma_start3A_82 = arith.constant 0 : i32
      %dma_start3A_83 = tpu.memref_slice %arg5[%dma_start3A_81, %dma_start3A_82] : memref<1000x128xf32, #tpu.memory_space<vmem_shared>> -> memref<1000x128xf32, #tpu.memory_space<vmem_shared>>
      tpu.enqueue_indirect_dma source(%dma_start3A_83 : memref<1000x128xf32, #tpu.memory_space<vmem_shared>>) target(%dma_start3A_77 : memref<128x128xf32, #tpu.memory_space<vmem>>) offsets(%dma_start3A_80 : memref<128xi32, #tpu.memory_space<vmem>>) semaphore(%arg8 : memref<!tpu.dma_semaphore, #tpu.memory_space<semaphore_mem>>)
      %mul3A_84 = arith.constant 4 : i32
      %mul3A_85 = arith.muli %scan3A_65, %mul3A_84 : i32
      %add3A_86 = arith.constant 1 : i32
      %add3A_87 = arith.addi %mul3A_85, %add3A_86 : i32
      %gt3A_88 = arith.constant 0 : i32
      %gt3A_89 = arith.cmpi sgt, %scan3A_65, %gt3A_88 : i32
      %convert_element_type3A_90 = arith.extui %gt3A_89 : i1 to i32
      %cond3A_91 = arith.constant 0 : i32
      %cond3A_92 = arith.cmpi ne, %convert_element_type3A_90, %cond3A_91 : i32
      scf.if %cond3A_92 {
        %dma_wait3A_268 = arith.constant 1 : i32
        %dma_wait3A_269 = arith.constant 0 : i32
        %dma_wait3A_270 = arith.constant 0 : i32
        %dma_wait3A_271 = tpu.memref_slice %arg7[%dma_wait3A_268, %dma_wait3A_269, %dma_wait3A_270] : memref<4x128x128xf32, #tpu.memory_space<vmem>> -> memref<1x128x128xf32, #tpu.memory_space<vmem>>
        %dma_wait3A_272 = tpu.memref_squeeze %dma_wait3A_271 : memref<1x128x128xf32, #tpu.memory_space<vmem>> -> memref<128x128xf32, #tpu.memory_space<vmem>>
        %dma_wait3A_273 = arith.constant 0 : i32
        %dma_wait3A_274 = tpu.memref_slice %arg4[%mul3A_2, %dma_wait3A_273] : memref<819200x128xf32, #tpu.memory_space<hbm>> -> memref<128x128xf32, #tpu.memory_space<hbm>>
        %dma_wait3A_275 = arith.constant 0 : i32
        %dma_wait3A_276 = tpu.memref_slice %arg4[%mul3A_2, %dma_wait3A_275] : memref<819200x128xf32, #tpu.memory_space<hbm>> -> memref<128x128xf32, #tpu.memory_space<hbm>>
        %dma_wait3A_277 = arith.constant 0 : i32
        %dma_wait3A_278 = arith.constant 0 : i32
        %dma_wait3A_279 = tpu.memref_slice %arg7[%dma_wait3A_268, %dma_wait3A_277, %dma_wait3A_278] : memref<4x128x128xf32, #tpu.memory_space<vmem>> -> memref<1x128x128xf32, #tpu.memory_space<vmem>>
        %dma_wait3A_280 = tpu.memref_squeeze %dma_wait3A_279 : memref<1x128x128xf32, #tpu.memory_space<vmem>> -> memref<128x128xf32, #tpu.memory_space<vmem>>
        tpu.wait_dma2 semaphore(%arg9 : memref<!tpu.dma_semaphore, #tpu.memory_space<semaphore_mem>>) src(%dma_wait3A_280 : memref<128x128xf32, #tpu.memory_space<vmem>>) dst(%dma_wait3A_276 : memref<128x128xf32, #tpu.memory_space<hbm>>)
      } else {
      }
      %dma_start3A_93 = arith.constant 1 : i32
      %dma_start3A_94 = arith.constant 0 : i32
      %dma_start3A_95 = arith.constant 0 : i32
      %dma_start3A_96 = tpu.memref_slice %arg7[%dma_start3A_93, %dma_start3A_94, %dma_start3A_95] : memref<4x128x128xf32, #tpu.memory_space<vmem>> -> memref<1x128x128xf32, #tpu.memory_space<vmem>>
      %dma_start3A_97 = tpu.memref_squeeze %dma_start3A_96 : memref<1x128x128xf32, #tpu.memory_space<vmem>> -> memref<128x128xf32, #tpu.memory_space<vmem>>
      %dma_start3A_98 = arith.constant 0 : i32
      %dma_start3A_99 = tpu.memref_slice %arg6[%add3A_87, %dma_start3A_98] : memref<200x128xi32, #tpu.memory_space<vmem>> -> memref<1x128xi32, #tpu.memory_space<vmem>>
      %dma_start3A_100 = tpu.memref_squeeze %dma_start3A_99 : memref<1x128xi32, #tpu.memory_space<vmem>> -> memref<128xi32, #tpu.memory_space<vmem>>
      %dma_start3A_101 = arith.constant 0 : i32
      %dma_start3A_102 = arith.constant 0 : i32
      %dma_start3A_103 = tpu.memref_slice %arg5[%dma_start3A_101, %dma_start3A_102] : memref<1000x128xf32, #tpu.memory_space<vmem_shared>> -> memref<1000x128xf32, #tpu.memory_space<vmem_shared>>
      tpu.enqueue_indirect_dma source(%dma_start3A_103 : memref<1000x128xf32, #tpu.memory_space<vmem_shared>>) target(%dma_start3A_97 : memref<128x128xf32, #tpu.memory_space<vmem>>) offsets(%dma_start3A_100 : memref<128xi32, #tpu.memory_space<vmem>>) semaphore(%arg8 : memref<!tpu.dma_semaphore, #tpu.memory_space<semaphore_mem>>)
      %mul3A_104 = arith.constant 4 : i32
      %mul3A_105 = arith.muli %scan3A_65, %mul3A_104 : i32
      %add3A_106 = arith.constant 2 : i32
      %add3A_107 = arith.addi %mul3A_105, %add3A_106 : i32
      %gt3A_108 = arith.constant 0 : i32
      %gt3A_109 = arith.cmpi sgt, %scan3A_65, %gt3A_108 : i32
      %convert_element_type3A_110 = arith.extui %gt3A_109 : i1 to i32
      %cond3A_111 = arith.constant 0 : i32
      %cond3A_112 = arith.cmpi ne, %convert_element_type3A_110, %cond3A_111 : i32
      scf.if %cond3A_112 {
        %dma_wait3A_268 = arith.constant 2 : i32
        %dma_wait3A_269 = arith.constant 0 : i32
        %dma_wait3A_270 = arith.constant 0 : i32
        %dma_wait3A_271 = tpu.memref_slice %arg7[%dma_wait3A_268, %dma_wait3A_269, %dma_wait3A_270] : memref<4x128x128xf32, #tpu.memory_space<vmem>> -> memref<1x128x128xf32, #tpu.memory_space<vmem>>
        %dma_wait3A_272 = tpu.memref_squeeze %dma_wait3A_271 : memref<1x128x128xf32, #tpu.memory_space<vmem>> -> memref<128x128xf32, #tpu.memory_space<vmem>>
        %dma_wait3A_273 = arith.constant 0 : i32
        %dma_wait3A_274 = tpu.memref_slice %arg4[%mul3A_2, %dma_wait3A_273] : memref<819200x128xf32, #tpu.memory_space<hbm>> -> memref<128x128xf32, #tpu.memory_space<hbm>>
        %dma_wait3A_275 = arith.constant 0 : i32
        %dma_wait3A_276 = tpu.memref_slice %arg4[%mul3A_2, %dma_wait3A_275] : memref<819200x128xf32, #tpu.memory_space<hbm>> -> memref<128x128xf32, #tpu.memory_space<hbm>>
        %dma_wait3A_277 = arith.constant 0 : i32
        %dma_wait3A_278 = arith.constant 0 : i32
        %dma_wait3A_279 = tpu.memref_slice %arg7[%dma_wait3A_268, %dma_wait3A_277, %dma_wait3A_278] : memref<4x128x128xf32, #tpu.memory_space<vmem>> -> memref<1x128x128xf32, #tpu.memory_space<vmem>>
        %dma_wait3A_280 = tpu.memref_squeeze %dma_wait3A_279 : memref<1x128x128xf32, #tpu.memory_space<vmem>> -> memref<128x128xf32, #tpu.memory_space<vmem>>
        tpu.wait_dma2 semaphore(%arg9 : memref<!tpu.dma_semaphore, #tpu.memory_space<semaphore_mem>>) src(%dma_wait3A_280 : memref<128x128xf32, #tpu.memory_space<vmem>>) dst(%dma_wait3A_276 : memref<128x128xf32, #tpu.memory_space<hbm>>)
      } else {
      }
      %dma_start3A_113 = arith.constant 2 : i32
      %dma_start3A_114 = arith.constant 0 : i32
      %dma_start3A_115 = arith.constant 0 : i32
      %dma_start3A_116 = tpu.memref_slice %arg7[%dma_start3A_113, %dma_start3A_114, %dma_start3A_115] : memref<4x128x128xf32, #tpu.memory_space<vmem>> -> memref<1x128x128xf32, #tpu.memory_space<vmem>>
      %dma_start3A_117 = tpu.memref_squeeze %dma_start3A_116 : memref<1x128x128xf32, #tpu.memory_space<vmem>> -> memref<128x128xf32, #tpu.memory_space<vmem>>
      %dma_start3A_118 = arith.constant 0 : i32
      %dma_start3A_119 = tpu.memref_slice %arg6[%add3A_107, %dma_start3A_118] : memref<200x128xi32, #tpu.memory_space<vmem>> -> memref<1x128xi32, #tpu.memory_space<vmem>>
      %dma_start3A_120 = tpu.memref_squeeze %dma_start3A_119 : memref<1x128xi32, #tpu.memory_space<vmem>> -> memref<128xi32, #tpu.memory_space<vmem>>
      %dma_start3A_121 = arith.constant 0 : i32
      %dma_start3A_122 = arith.constant 0 : i32
      %dma_start3A_123 = tpu.memref_slice %arg5[%dma_start3A_121, %dma_start3A_122] : memref<1000x128xf32, #tpu.memory_space<vmem_shared>> -> memref<1000x128xf32, #tpu.memory_space<vmem_shared>>
      tpu.enqueue_indirect_dma source(%dma_start3A_123 : memref<1000x128xf32, #tpu.memory_space<vmem_shared>>) target(%dma_start3A_117 : memref<128x128xf32, #tpu.memory_space<vmem>>) offsets(%dma_start3A_120 : memref<128xi32, #tpu.memory_space<vmem>>) semaphore(%arg8 : memref<!tpu.dma_semaphore, #tpu.memory_space<semaphore_mem>>)
      %mul3A_124 = arith.constant 4 : i32
      %mul3A_125 = arith.muli %scan3A_65, %mul3A_124 : i32
      %add3A_126 = arith.constant 3 : i32
      %add3A_127 = arith.addi %mul3A_125, %add3A_126 : i32
      %gt3A_128 = arith.constant 0 : i32
      %gt3A_129 = arith.cmpi sgt, %scan3A_65, %gt3A_128 : i32
      %convert_element_type3A_130 = arith.extui %gt3A_129 : i1 to i32
      %cond3A_131 = arith.constant 0 : i32
      %cond3A_132 = arith.cmpi ne, %convert_element_type3A_130, %cond3A_131 : i32
      scf.if %cond3A_132 {
        %dma_wait3A_268 = arith.constant 3 : i32
        %dma_wait3A_269 = arith.constant 0 : i32
        %dma_wait3A_270 = arith.constant 0 : i32
        %dma_wait3A_271 = tpu.memref_slice %arg7[%dma_wait3A_268, %dma_wait3A_269, %dma_wait3A_270] : memref<4x128x128xf32, #tpu.memory_space<vmem>> -> memref<1x128x128xf32, #tpu.memory_space<vmem>>
        %dma_wait3A_272 = tpu.memref_squeeze %dma_wait3A_271 : memref<1x128x128xf32, #tpu.memory_space<vmem>> -> memref<128x128xf32, #tpu.memory_space<vmem>>
        %dma_wait3A_273 = arith.constant 0 : i32
        %dma_wait3A_274 = tpu.memref_slice %arg4[%mul3A_2, %dma_wait3A_273] : memref<819200x128xf32, #tpu.memory_space<hbm>> -> memref<128x128xf32, #tpu.memory_space<hbm>>
        %dma_wait3A_275 = arith.constant 0 : i32
        %dma_wait3A_276 = tpu.memref_slice %arg4[%mul3A_2, %dma_wait3A_275] : memref<819200x128xf32, #tpu.memory_space<hbm>> -> memref<128x128xf32, #tpu.memory_space<hbm>>
        %dma_wait3A_277 = arith.constant 0 : i32
        %dma_wait3A_278 = arith.constant 0 : i32
        %dma_wait3A_279 = tpu.memref_slice %arg7[%dma_wait3A_268, %dma_wait3A_277, %dma_wait3A_278] : memref<4x128x128xf32, #tpu.memory_space<vmem>> -> memref<1x128x128xf32, #tpu.memory_space<vmem>>
        %dma_wait3A_280 = tpu.memref_squeeze %dma_wait3A_279 : memref<1x128x128xf32, #tpu.memory_space<vmem>> -> memref<128x128xf32, #tpu.memory_space<vmem>>
        tpu.wait_dma2 semaphore(%arg9 : memref<!tpu.dma_semaphore, #tpu.memory_space<semaphore_mem>>) src(%dma_wait3A_280 : memref<128x128xf32, #tpu.memory_space<vmem>>) dst(%dma_wait3A_276 : memref<128x128xf32, #tpu.memory_space<hbm>>)
      } else {
      }
      %dma_start3A_133 = arith.constant 3 : i32
      %dma_start3A_134 = arith.constant 0 : i32
      %dma_start3A_135 = arith.constant 0 : i32
      %dma_start3A_136 = tpu.memref_slice %arg7[%dma_start3A_133, %dma_start3A_134, %dma_start3A_135] : memref<4x128x128xf32, #tpu.memory_space<vmem>> -> memref<1x128x128xf32, #tpu.memory_space<vmem>>
      %dma_start3A_137 = tpu.memref_squeeze %dma_start3A_136 : memref<1x128x128xf32, #tpu.memory_space<vmem>> -> memref<128x128xf32, #tpu.memory_space<vmem>>
      %dma_start3A_138 = arith.constant 0 : i32
      %dma_start3A_139 = tpu.memref_slice %arg6[%add3A_127, %dma_start3A_138] : memref<200x128xi32, #tpu.memory_space<vmem>> -> memref<1x128xi32, #tpu.memory_space<vmem>>
      %dma_start3A_140 = tpu.memref_squeeze %dma_start3A_139 : memref<1x128xi32, #tpu.memory_space<vmem>> -> memref<128xi32, #tpu.memory_space<vmem>>
      %dma_start3A_141 = arith.constant 0 : i32
      %dma_start3A_142 = arith.constant 0 : i32
      %dma_start3A_143 = tpu.memref_slice %arg5[%dma_start3A_141, %dma_start3A_142] : memref<1000x128xf32, #tpu.memory_space<vmem_shared>> -> memref<1000x128xf32, #tpu.memory_space<vmem_shared>>
      tpu.enqueue_indirect_dma source(%dma_start3A_143 : memref<1000x128xf32, #tpu.memory_space<vmem_shared>>) target(%dma_start3A_137 : memref<128x128xf32, #tpu.memory_space<vmem>>) offsets(%dma_start3A_140 : memref<128xi32, #tpu.memory_space<vmem>>) semaphore(%arg8 : memref<!tpu.dma_semaphore, #tpu.memory_space<semaphore_mem>>)
      %mul3A_144 = arith.constant 4 : i32
      %mul3A_145 = arith.muli %scan3A_65, %mul3A_144 : i32
      %add3A_146 = arith.constant 0 : i32
      %add3A_147 = arith.addi %mul3A_145, %add3A_146 : i32
      %dma_wait3A_148 = arith.constant 0 : i32
      %dma_wait3A_149 = arith.constant 0 : i32
      %dma_wait3A_150 = arith.constant 0 : i32
      %dma_wait3A_151 = tpu.memref_slice %arg7[%dma_wait3A_148, %dma_wait3A_149, %dma_wait3A_150] : memref<4x128x128xf32, #tpu.memory_space<vmem>> -> memref<1x128x128xf32, #tpu.memory_space<vmem>>
      %dma_wait3A_152 = tpu.memref_squeeze %dma_wait3A_151 : memref<1x128x128xf32, #tpu.memory_space<vmem>> -> memref<128x128xf32, #tpu.memory_space<vmem>>
      %dma_wait3A_153 = arith.constant 0 : i32
      %dma_wait3A_154 = tpu.memref_slice %arg6[%add3A_147, %dma_wait3A_153] : memref<200x128xi32, #tpu.memory_space<vmem>> -> memref<1x128xi32, #tpu.memory_space<vmem>>
      %dma_wait3A_155 = tpu.memref_squeeze %dma_wait3A_154 : memref<1x128xi32, #tpu.memory_space<vmem>> -> memref<128xi32, #tpu.memory_space<vmem>>
      %dma_wait3A_156 = arith.constant 0 : i32
      %dma_wait3A_157 = arith.constant 0 : i32
      %dma_wait3A_158 = tpu.memref_slice %arg5[%dma_wait3A_156, %dma_wait3A_157] : memref<1000x128xf32, #tpu.memory_space<vmem_shared>> -> memref<1000x128xf32, #tpu.memory_space<vmem_shared>>
      tpu.wait_indirect_dma semaphore(%arg8 : memref<!tpu.dma_semaphore, #tpu.memory_space<semaphore_mem>>) src(%dma_wait3A_158 : memref<1000x128xf32, #tpu.memory_space<vmem_shared>>) dst(%dma_wait3A_152 : memref<128x128xf32, #tpu.memory_space<vmem>>)
      %mul3A_159 = arith.constant 128 : i32
      %mul3A_160 = arith.muli %add3A_147, %mul3A_159 : i32
      %add3A_161 = arith.addi %mul3A_2, %mul3A_160 : i32
      %dma_start3A_162 = arith.constant 0 : i32
      %dma_start3A_163 = arith.constant 0 : i32
      %dma_start3A_164 = arith.constant 0 : i32
      %dma_start3A_165 = tpu.memref_slice %arg7[%dma_start3A_162, %dma_start3A_163, %dma_start3A_164] : memref<4x128x128xf32, #tpu.memory_space<vmem>> -> memref<1x128x128xf32, #tpu.memory_space<vmem>>
      %dma_start3A_166 = tpu.memref_squeeze %dma_start3A_165 : memref<1x128x128xf32, #tpu.memory_space<vmem>> -> memref<128x128xf32, #tpu.memory_space<vmem>>
      %dma_start3A_167 = arith.constant 0 : i32
      %dma_start3A_168 = tpu.memref_slice %arg4[%add3A_161, %dma_start3A_167] : memref<819200x128xf32, #tpu.memory_space<hbm>> -> memref<128x128xf32, #tpu.memory_space<hbm>>
      %dma_start3A_169 = arith.constant 0 : i32
      %dma_start3A_170 = tpu.memref_slice %arg4[%add3A_161, %dma_start3A_169] : memref<819200x128xf32, #tpu.memory_space<hbm>> -> memref<128x128xf32, #tpu.memory_space<hbm>>
      %dma_start3A_171 = arith.constant 0 : i32
      %dma_start3A_172 = arith.constant 0 : i32
      %dma_start3A_173 = tpu.memref_slice %arg7[%dma_start3A_162, %dma_start3A_171, %dma_start3A_172] : memref<4x128x128xf32, #tpu.memory_space<vmem>> -> memref<1x128x128xf32, #tpu.memory_space<vmem>>
      %dma_start3A_174 = tpu.memref_squeeze %dma_start3A_173 : memref<1x128x128xf32, #tpu.memory_space<vmem>> -> memref<128x128xf32, #tpu.memory_space<vmem>>
      tpu.enqueue_dma source(%dma_start3A_174 : memref<128x128xf32, #tpu.memory_space<vmem>>) target(%dma_start3A_170 : memref<128x128xf32, #tpu.memory_space<hbm>>) target_semaphore(%arg9 : memref<!tpu.dma_semaphore, #tpu.memory_space<semaphore_mem>>)
      %mul3A_175 = arith.constant 4 : i32
      %mul3A_176 = arith.muli %scan3A_65, %mul3A_175 : i32
      %add3A_177 = arith.constant 1 : i32
      %add3A_178 = arith.addi %mul3A_176, %add3A_177 : i32
      %dma_wait3A_179 = arith.constant 1 : i32
      %dma_wait3A_180 = arith.constant 0 : i32
      %dma_wait3A_181 = arith.constant 0 : i32
      %dma_wait3A_182 = tpu.memref_slice %arg7[%dma_wait3A_179, %dma_wait3A_180, %dma_wait3A_181] : memref<4x128x128xf32, #tpu.memory_space<vmem>> -> memref<1x128x128xf32, #tpu.memory_space<vmem>>
      %dma_wait3A_183 = tpu.memref_squeeze %dma_wait3A_182 : memref<1x128x128xf32, #tpu.memory_space<vmem>> -> memref<128x128xf32, #tpu.memory_space<vmem>>
      %dma_wait3A_184 = arith.constant 0 : i32
      %dma_wait3A_185 = tpu.memref_slice %arg6[%add3A_178, %dma_wait3A_184] : memref<200x128xi32, #tpu.memory_space<vmem>> -> memref<1x128xi32, #tpu.memory_space<vmem>>
      %dma_wait3A_186 = tpu.memref_squeeze %dma_wait3A_185 : memref<1x128xi32, #tpu.memory_space<vmem>> -> memref<128xi32, #tpu.memory_space<vmem>>
      %dma_wait3A_187 = arith.constant 0 : i32
      %dma_wait3A_188 = arith.constant 0 : i32
      %dma_wait3A_189 = tpu.memref_slice %arg5[%dma_wait3A_187, %dma_wait3A_188] : memref<1000x128xf32, #tpu.memory_space<vmem_shared>> -> memref<1000x128xf32, #tpu.memory_space<vmem_shared>>
      tpu.wait_indirect_dma semaphore(%arg8 : memref<!tpu.dma_semaphore, #tpu.memory_space<semaphore_mem>>) src(%dma_wait3A_189 : memref<1000x128xf32, #tpu.memory_space<vmem_shared>>) dst(%dma_wait3A_183 : memref<128x128xf32, #tpu.memory_space<vmem>>)
      %mul3A_190 = arith.constant 128 : i32
      %mul3A_191 = arith.muli %add3A_178, %mul3A_190 : i32
      %add3A_192 = arith.addi %mul3A_2, %mul3A_191 : i32
      %dma_start3A_193 = arith.constant 1 : i32
      %dma_start3A_194 = arith.constant 0 : i32
      %dma_start3A_195 = arith.constant 0 : i32
      %dma_start3A_196 = tpu.memref_slice %arg7[%dma_start3A_193, %dma_start3A_194, %dma_start3A_195] : memref<4x128x128xf32, #tpu.memory_space<vmem>> -> memref<1x128x128xf32, #tpu.memory_space<vmem>>
      %dma_start3A_197 = tpu.memref_squeeze %dma_start3A_196 : memref<1x128x128xf32, #tpu.memory_space<vmem>> -> memref<128x128xf32, #tpu.memory_space<vmem>>
      %dma_start3A_198 = arith.constant 0 : i32
      %dma_start3A_199 = tpu.memref_slice %arg4[%add3A_192, %dma_start3A_198] : memref<819200x128xf32, #tpu.memory_space<hbm>> -> memref<128x128xf32, #tpu.memory_space<hbm>>
      %dma_start3A_200 = arith.constant 0 : i32
      %dma_start3A_201 = tpu.memref_slice %arg4[%add3A_192, %dma_start3A_200] : memref<819200x128xf32, #tpu.memory_space<hbm>> -> memref<128x128xf32, #tpu.memory_space<hbm>>
      %dma_start3A_202 = arith.constant 0 : i32
      %dma_start3A_203 = arith.constant 0 : i32
      %dma_start3A_204 = tpu.memref_slice %arg7[%dma_start3A_193, %dma_start3A_202, %dma_start3A_203] : memref<4x128x128xf32, #tpu.memory_space<vmem>> -> memref<1x128x128xf32, #tpu.memory_space<vmem>>
      %dma_start3A_205 = tpu.memref_squeeze %dma_start3A_204 : memref<1x128x128xf32, #tpu.memory_space<vmem>> -> memref<128x128xf32, #tpu.memory_space<vmem>>
      tpu.enqueue_dma source(%dma_start3A_205 : memref<128x128xf32, #tpu.memory_space<vmem>>) target(%dma_start3A_201 : memref<128x128xf32, #tpu.memory_space<hbm>>) target_semaphore(%arg9 : memref<!tpu.dma_semaphore, #tpu.memory_space<semaphore_mem>>)
      %mul3A_206 = arith.constant 4 : i32
      %mul3A_207 = arith.muli %scan3A_65, %mul3A_206 : i32
      %add3A_208 = arith.constant 2 : i32
      %add3A_209 = arith.addi %mul3A_207, %add3A_208 : i32
      %dma_wait3A_210 = arith.constant 2 : i32
      %dma_wait3A_211 = arith.constant 0 : i32
      %dma_wait3A_212 = arith.constant 0 : i32
      %dma_wait3A_213 = tpu.memref_slice %arg7[%dma_wait3A_210, %dma_wait3A_211, %dma_wait3A_212] : memref<4x128x128xf32, #tpu.memory_space<vmem>> -> memref<1x128x128xf32, #tpu.memory_space<vmem>>
      %dma_wait3A_214 = tpu.memref_squeeze %dma_wait3A_213 : memref<1x128x128xf32, #tpu.memory_space<vmem>> -> memref<128x128xf32, #tpu.memory_space<vmem>>
      %dma_wait3A_215 = arith.constant 0 : i32
      %dma_wait3A_216 = tpu.memref_slice %arg6[%add3A_209, %dma_wait3A_215] : memref<200x128xi32, #tpu.memory_space<vmem>> -> memref<1x128xi32, #tpu.memory_space<vmem>>
      %dma_wait3A_217 = tpu.memref_squeeze %dma_wait3A_216 : memref<1x128xi32, #tpu.memory_space<vmem>> -> memref<128xi32, #tpu.memory_space<vmem>>
      %dma_wait3A_218 = arith.constant 0 : i32
      %dma_wait3A_219 = arith.constant 0 : i32
      %dma_wait3A_220 = tpu.memref_slice %arg5[%dma_wait3A_218, %dma_wait3A_219] : memref<1000x128xf32, #tpu.memory_space<vmem_shared>> -> memref<1000x128xf32, #tpu.memory_space<vmem_shared>>
      tpu.wait_indirect_dma semaphore(%arg8 : memref<!tpu.dma_semaphore, #tpu.memory_space<semaphore_mem>>) src(%dma_wait3A_220 : memref<1000x128xf32, #tpu.memory_space<vmem_shared>>) dst(%dma_wait3A_214 : memref<128x128xf32, #tpu.memory_space<vmem>>)
      %mul3A_221 = arith.constant 128 : i32
      %mul3A_222 = arith.muli %add3A_209, %mul3A_221 : i32
      %add3A_223 = arith.addi %mul3A_2, %mul3A_222 : i32
      %dma_start3A_224 = arith.constant 2 : i32
      %dma_start3A_225 = arith.constant 0 : i32
      %dma_start3A_226 = arith.constant 0 : i32
      %dma_start3A_227 = tpu.memref_slice %arg7[%dma_start3A_224, %dma_start3A_225, %dma_start3A_226] : memref<4x128x128xf32, #tpu.memory_space<vmem>> -> memref<1x128x128xf32, #tpu.memory_space<vmem>>
      %dma_start3A_228 = tpu.memref_squeeze %dma_start3A_227 : memref<1x128x128xf32, #tpu.memory_space<vmem>> -> memref<128x128xf32, #tpu.memory_space<vmem>>
      %dma_start3A_229 = arith.constant 0 : i32
      %dma_start3A_230 = tpu.memref_slice %arg4[%add3A_223, %dma_start3A_229] : memref<819200x128xf32, #tpu.memory_space<hbm>> -> memref<128x128xf32, #tpu.memory_space<hbm>>
      %dma_start3A_231 = arith.constant 0 : i32
      %dma_start3A_232 = tpu.memref_slice %arg4[%add3A_223, %dma_start3A_231] : memref<819200x128xf32, #tpu.memory_space<hbm>> -> memref<128x128xf32, #tpu.memory_space<hbm>>
      %dma_start3A_233 = arith.constant 0 : i32
      %dma_start3A_234 = arith.constant 0 : i32
      %dma_start3A_235 = tpu.memref_slice %arg7[%dma_start3A_224, %dma_start3A_233, %dma_start3A_234] : memref<4x128x128xf32, #tpu.memory_space<vmem>> -> memref<1x128x128xf32, #tpu.memory_space<vmem>>
      %dma_start3A_236 = tpu.memref_squeeze %dma_start3A_235 : memref<1x128x128xf32, #tpu.memory_space<vmem>> -> memref<128x128xf32, #tpu.memory_space<vmem>>
      tpu.enqueue_dma source(%dma_start3A_236 : memref<128x128xf32, #tpu.memory_space<vmem>>) target(%dma_start3A_232 : memref<128x128xf32, #tpu.memory_space<hbm>>) target_semaphore(%arg9 : memref<!tpu.dma_semaphore, #tpu.memory_space<semaphore_mem>>)
      %mul3A_237 = arith.constant 4 : i32
      %mul3A_238 = arith.muli %scan3A_65, %mul3A_237 : i32
      %add3A_239 = arith.constant 3 : i32
      %add3A_240 = arith.addi %mul3A_238, %add3A_239 : i32
      %dma_wait3A_241 = arith.constant 3 : i32
      %dma_wait3A_242 = arith.constant 0 : i32
      %dma_wait3A_243 = arith.constant 0 : i32
      %dma_wait3A_244 = tpu.memref_slice %arg7[%dma_wait3A_241, %dma_wait3A_242, %dma_wait3A_243] : memref<4x128x128xf32, #tpu.memory_space<vmem>> -> memref<1x128x128xf32, #tpu.memory_space<vmem>>
      %dma_wait3A_245 = tpu.memref_squeeze %dma_wait3A_244 : memref<1x128x128xf32, #tpu.memory_space<vmem>> -> memref<128x128xf32, #tpu.memory_space<vmem>>
      %dma_wait3A_246 = arith.constant 0 : i32
      %dma_wait3A_247 = tpu.memref_slice %arg6[%add3A_240, %dma_wait3A_246] : memref<200x128xi32, #tpu.memory_space<vmem>> -> memref<1x128xi32, #tpu.memory_space<vmem>>
      %dma_wait3A_248 = tpu.memref_squeeze %dma_wait3A_247 : memref<1x128xi32, #tpu.memory_space<vmem>> -> memref<128xi32, #tpu.memory_space<vmem>>
      %dma_wait3A_249 = arith.constant 0 : i32
      %dma_wait3A_250 = arith.constant 0 : i32
      %dma_wait3A_251 = tpu.memref_slice %arg5[%dma_wait3A_249, %dma_wait3A_250] : memref<1000x128xf32, #tpu.memory_space<vmem_shared>> -> memref<1000x128xf32, #tpu.memory_space<vmem_shared>>
      tpu.wait_indirect_dma semaphore(%arg8 : memref<!tpu.dma_semaphore, #tpu.memory_space<semaphore_mem>>) src(%dma_wait3A_251 : memref<1000x128xf32, #tpu.memory_space<vmem_shared>>) dst(%dma_wait3A_245 : memref<128x128xf32, #tpu.memory_space<vmem>>)
      %mul3A_252 = arith.constant 128 : i32
      %mul3A_253 = arith.muli %add3A_240, %mul3A_252 : i32
      %add3A_254 = arith.addi %mul3A_2, %mul3A_253 : i32
      %dma_start3A_255 = arith.constant 3 : i32
      %dma_start3A_256 = arith.constant 0 : i32
      %dma_start3A_257 = arith.constant 0 : i32
      %dma_start3A_258 = tpu.memref_slice %arg7[%dma_start3A_255, %dma_start3A_256, %dma_start3A_257] : memref<4x128x128xf32, #tpu.memory_space<vmem>> -> memref<1x128x128xf32, #tpu.memory_space<vmem>>
      %dma_start3A_259 = tpu.memref_squeeze %dma_start3A_258 : memref<1x128x128xf32, #tpu.memory_space<vmem>> -> memref<128x128xf32, #tpu.memory_space<vmem>>
      %dma_start3A_260 = arith.constant 0 : i32
      %dma_start3A_261 = tpu.memref_slice %arg4[%add3A_254, %dma_start3A_260] : memref<819200x128xf32, #tpu.memory_space<hbm>> -> memref<128x128xf32, #tpu.memory_space<hbm>>
      %dma_start3A_262 = arith.constant 0 : i32
      %dma_start3A_263 = tpu.memref_slice %arg4[%add3A_254, %dma_start3A_262] : memref<819200x128xf32, #tpu.memory_space<hbm>> -> memref<128x128xf32, #tpu.memory_space<hbm>>
      %dma_start3A_264 = arith.constant 0 : i32
      %dma_start3A_265 = arith.constant 0 : i32
      %dma_start3A_266 = tpu.memref_slice %arg7[%dma_start3A_255, %dma_start3A_264, %dma_start3A_265] : memref<4x128x128xf32, #tpu.memory_space<vmem>> -> memref<1x128x128xf32, #tpu.memory_space<vmem>>
      %dma_start3A_267 = tpu.memref_squeeze %dma_start3A_266 : memref<1x128x128xf32, #tpu.memory_space<vmem>> -> memref<128x128xf32, #tpu.memory_space<vmem>>
      tpu.enqueue_dma source(%dma_start3A_267 : memref<128x128xf32, #tpu.memory_space<vmem>>) target(%dma_start3A_263 : memref<128x128xf32, #tpu.memory_space<hbm>>) target_semaphore(%arg9 : memref<!tpu.dma_semaphore, #tpu.memory_space<semaphore_mem>>)
    }
    %scan3A_13 = arith.constant 50 : i32
    %dma_wait3A = arith.constant 0 : i32
    %dma_wait3A_14 = arith.constant 0 : i32
    %dma_wait3A_15 = arith.constant 0 : i32
    %dma_wait3A_16 = tpu.memref_slice %arg7[%dma_wait3A, %dma_wait3A_14, %dma_wait3A_15] : memref<4x128x128xf32, #tpu.memory_space<vmem>> -> memref<1x128x128xf32, #tpu.memory_space<vmem>>
    %dma_wait3A_17 = tpu.memref_squeeze %dma_wait3A_16 : memref<1x128x128xf32, #tpu.memory_space<vmem>> -> memref<128x128xf32, #tpu.memory_space<vmem>>
    %dma_wait3A_18 = arith.constant 0 : i32
    %dma_wait3A_19 = tpu.memref_slice %arg4[%mul3A_2, %dma_wait3A_18] : memref<819200x128xf32, #tpu.memory_space<hbm>> -> memref<128x128xf32, #tpu.memory_space<hbm>>
    %dma_wait3A_20 = arith.constant 0 : i32
    %dma_wait3A_21 = tpu.memref_slice %arg4[%mul3A_2, %dma_wait3A_20] : memref<819200x128xf32, #tpu.memory_space<hbm>> -> memref<128x128xf32, #tpu.memory_space<hbm>>
    %dma_wait3A_22 = arith.constant 0 : i32
    %dma_wait3A_23 = arith.constant 0 : i32
    %dma_wait3A_24 = tpu.memref_slice %arg7[%dma_wait3A, %dma_wait3A_22, %dma_wait3A_23] : memref<4x128x128xf32, #tpu.memory_space<vmem>> -> memref<1x128x128xf32, #tpu.memory_space<vmem>>
    %dma_wait3A_25 = tpu.memref_squeeze %dma_wait3A_24 : memref<1x128x128xf32, #tpu.memory_space<vmem>> -> memref<128x128xf32, #tpu.memory_space<vmem>>
    tpu.wait_dma2 semaphore(%arg9 : memref<!tpu.dma_semaphore, #tpu.memory_space<semaphore_mem>>) src(%dma_wait3A_25 : memref<128x128xf32, #tpu.memory_space<vmem>>) dst(%dma_wait3A_21 : memref<128x128xf32, #tpu.memory_space<hbm>>)
    %dma_wait3A_26 = arith.constant 1 : i32
    %dma_wait3A_27 = arith.constant 0 : i32
    %dma_wait3A_28 = arith.constant 0 : i32
    %dma_wait3A_29 = tpu.memref_slice %arg7[%dma_wait3A_26, %dma_wait3A_27, %dma_wait3A_28] : memref<4x128x128xf32, #tpu.memory_space<vmem>> -> memref<1x128x128xf32, #tpu.memory_space<vmem>>
    %dma_wait3A_30 = tpu.memref_squeeze %dma_wait3A_29 : memref<1x128x128xf32, #tpu.memory_space<vmem>> -> memref<128x128xf32, #tpu.memory_space<vmem>>
    %dma_wait3A_31 = arith.constant 0 : i32
    %dma_wait3A_32 = tpu.memref_slice %arg4[%mul3A_2, %dma_wait3A_31] : memref<819200x128xf32, #tpu.memory_space<hbm>> -> memref<128x128xf32, #tpu.memory_space<hbm>>
    %dma_wait3A_33 = arith.constant 0 : i32
    %dma_wait3A_34 = tpu.memref_slice %arg4[%mul3A_2, %dma_wait3A_33] : memref<819200x128xf32, #tpu.memory_space<hbm>> -> memref<128x128xf32, #tpu.memory_space<hbm>>
    %dma_wait3A_35 = arith.constant 0 : i32
    %dma_wait3A_36 = arith.constant 0 : i32
    %dma_wait3A_37 = tpu.memref_slice %arg7[%dma_wait3A_26, %dma_wait3A_35, %dma_wait3A_36] : memref<4x128x128xf32, #tpu.memory_space<vmem>> -> memref<1x128x128xf32, #tpu.memory_space<vmem>>
    %dma_wait3A_38 = tpu.memref_squeeze %dma_wait3A_37 : memref<1x128x128xf32, #tpu.memory_space<vmem>> -> memref<128x128xf32, #tpu.memory_space<vmem>>
    tpu.wait_dma2 semaphore(%arg9 : memref<!tpu.dma_semaphore, #tpu.memory_space<semaphore_mem>>) src(%dma_wait3A_38 : memref<128x128xf32, #tpu.memory_space<vmem>>) dst(%dma_wait3A_34 : memref<128x128xf32, #tpu.memory_space<hbm>>)
    %dma_wait3A_39 = arith.constant 2 : i32
    %dma_wait3A_40 = arith.constant 0 : i32
    %dma_wait3A_41 = arith.constant 0 : i32
    %dma_wait3A_42 = tpu.memref_slice %arg7[%dma_wait3A_39, %dma_wait3A_40, %dma_wait3A_41] : memref<4x128x128xf32, #tpu.memory_space<vmem>> -> memref<1x128x128xf32, #tpu.memory_space<vmem>>
    %dma_wait3A_43 = tpu.memref_squeeze %dma_wait3A_42 : memref<1x128x128xf32, #tpu.memory_space<vmem>> -> memref<128x128xf32, #tpu.memory_space<vmem>>
    %dma_wait3A_44 = arith.constant 0 : i32
    %dma_wait3A_45 = tpu.memref_slice %arg4[%mul3A_2, %dma_wait3A_44] : memref<819200x128xf32, #tpu.memory_space<hbm>> -> memref<128x128xf32, #tpu.memory_space<hbm>>
    %dma_wait3A_46 = arith.constant 0 : i32
    %dma_wait3A_47 = tpu.memref_slice %arg4[%mul3A_2, %dma_wait3A_46] : memref<819200x128xf32, #tpu.memory_space<hbm>> -> memref<128x128xf32, #tpu.memory_space<hbm>>
    %dma_wait3A_48 = arith.constant 0 : i32
    %dma_wait3A_49 = arith.constant 0 : i32
    %dma_wait3A_50 = tpu.memref_slice %arg7[%dma_wait3A_39, %dma_wait3A_48, %dma_wait3A_49] : memref<4x128x128xf32, #tpu.memory_space<vmem>> -> memref<1x128x128xf32, #tpu.memory_space<vmem>>
    %dma_wait3A_51 = tpu.memref_squeeze %dma_wait3A_50 : memref<1x128x128xf32, #tpu.memory_space<vmem>> -> memref<128x128xf32, #tpu.memory_space<vmem>>
    tpu.wait_dma2 semaphore(%arg9 : memref<!tpu.dma_semaphore, #tpu.memory_space<semaphore_mem>>) src(%dma_wait3A_51 : memref<128x128xf32, #tpu.memory_space<vmem>>) dst(%dma_wait3A_47 : memref<128x128xf32, #tpu.memory_space<hbm>>)
    %dma_wait3A_52 = arith.constant 3 : i32
    %dma_wait3A_53 = arith.constant 0 : i32
    %dma_wait3A_54 = arith.constant 0 : i32
    %dma_wait3A_55 = tpu.memref_slice %arg7[%dma_wait3A_52, %dma_wait3A_53, %dma_wait3A_54] : memref<4x128x128xf32, #tpu.memory_space<vmem>> -> memref<1x128x128xf32, #tpu.memory_space<vmem>>
    %dma_wait3A_56 = tpu.memref_squeeze %dma_wait3A_55 : memref<1x128x128xf32, #tpu.memory_space<vmem>> -> memref<128x128xf32, #tpu.memory_space<vmem>>
    %dma_wait3A_57 = arith.constant 0 : i32
    %dma_wait3A_58 = tpu.memref_slice %arg4[%mul3A_2, %dma_wait3A_57] : memref<819200x128xf32, #tpu.memory_space<hbm>> -> memref<128x128xf32, #tpu.memory_space<hbm>>
    %dma_wait3A_59 = arith.constant 0 : i32
    %dma_wait3A_60 = tpu.memref_slice %arg4[%mul3A_2, %dma_wait3A_59] : memref<819200x128xf32, #tpu.memory_space<hbm>> -> memref<128x128xf32, #tpu.memory_space<hbm>>
    %dma_wait3A_61 = arith.constant 0 : i32
    %dma_wait3A_62 = arith.constant 0 : i32
    %dma_wait3A_63 = tpu.memref_slice %arg7[%dma_wait3A_52, %dma_wait3A_61, %dma_wait3A_62] : memref<4x128x128xf32, #tpu.memory_space<vmem>> -> memref<1x128x128xf32, #tpu.memory_space<vmem>>
    %dma_wait3A_64 = tpu.memref_squeeze %dma_wait3A_63 : memref<1x128x128xf32, #tpu.memory_space<vmem>> -> memref<128x128xf32, #tpu.memory_space<vmem>>
    tpu.wait_dma2 semaphore(%arg9 : memref<!tpu.dma_semaphore, #tpu.memory_space<semaphore_mem>>) src(%dma_wait3A_64 : memref<128x128xf32, #tpu.memory_space<vmem>>) dst(%dma_wait3A_60 : memref<128x128xf32, #tpu.memory_space<hbm>>)
    return
  }
}

</mosaic_0001>

<sc_bundles>
// kernel: kernel.3.cloned.1.call-start
scs
__scs_entry_jumppad:
0x0: {  	(pc) =	sbr.rel $0x88, $3  }
0x1: {  	(tag) =	ssettag $0x0;
	lr =	simm.s32 $0x1  }
0x2: {  	[smem:$0x3F9F] =	sst lr;
	_ =	strace $0xD0000000  }
0x3: {  	_ = 	snop  }
0x4: {  	_ = 	snop  }
0x5: {  	_ = 	snop  }
0x6: {  	_ = 	snop  }
0x7: {  	_ = 	snop  }
__scs_overlays_trampoline_lowered:
0x8: {  	[smem:$0x3FAE] =	sst s0  }
0x9: {  	[smem:$0x3FAF] =	sst s1  }
0xa: {  	[smem:$0x3FB0] =	sst s2  }
0xb: {  	[smem:$0x3FB1] =	sst s3  }
0xc: {  	[smem:$0x3FB2] =	sst s4  }
0xd: {  	[smem:$0x3FB3] =	sst s5  }
0xe: {  	[smem:$0x3FB4] =	sst s6  }
0xf: {  	[smem:$0x3FB5] =	sst s7  }
0x10: {  	[smem:$0x3FB6] =	sst s8  }
0x11: {  	[smem:$0x3FB7] =	sst s9;
	s0 =	simm.s32 @!p0 $0x0  }
0x12: {  	s1 =	sld [smem:$0x3F9D];
	s0 =	simm.s32 @p0 $0x1  }
0x13: {  	[smem:$0x3FB8] =	sst s0;
	s0 =	simm.s32 @!p1 $0x0  }
0x14: {  	s2 =	sld [smem:$0x3F9C];
	s0 =	simm.s32 @p1 $0x1  }
0x15: {  	[smem:$0x3FB9] =	sst s0;
	s0 =	simm.s32 @!p2 $0x0  }
0x16: {  	s3 =	sld [smem:$0x3FDB];
	s0 =	simm.s32 @p2 $0x1  }
0x17: {  	s4 =	simm.s32 $0x1BF5;
	[smem:$0x3FBB] =	sst s0  }
0x18: {  	s0 =	sld [smem:$0x3F9E];
	_ =	swait.ge [sflag:s4], $0x0  }
0x19: {  	s7 =	sld [smem:$0x3F9F]  }
0x1a: {  	s8 =	sadd.s32 $0xFFFFE003, lr  }
0x1b: {  	s9 =	sadd.s32 $0xFFFFFEF7, lr;
	s5 =	simm.s32 $0xFFFFFFFF;
	p2 =	slt.u32 s8, $0xFFFFF086  }
0x1c: {  	p1 =	slt.u32 s9, $0xF7A;
	s5 =	simm.s32 @!p2 $0x0  }
0x1d: {  	s5 =	simm.s32 @p1 $0x1;
	p0 =	seq.s32 s7, s2  }
0x1e: {  	s7 =	smul.u32 @!p0 $0xF7A, s2;
	p2 =	seq.s32 @!p0 s5, $0x0  }
0x1f: {  	s9 =	smul.u32 $0xF7A, s1;
	s8 =	simm.s32 @!p0 $0x1BF5;
	p2 =	por !p2, p0  }
0x20: {  	[sflag:s8] =	ssyncset.s32 @!p0 $0xFFFFF086;
	s6 =	sadd.s32 @!p0 s3, s7;
	s7 =	simm.s32 @!p0 $0x108  }
0x21: {  	s3 =	sadd.s32 s3, s9;
	s6 =	sadd.s32 @!p0 $0x88, s6;
	s7 =	simm.s32 @p2 $0x1082  }
0x22: {  	[simem:s7], [sflag:s8] =	dma.local @!p0 [hbm:s6], $0xF7A  }
0x23: {  	s9 =	sor.u32 $0xD0000000, s2;
	s6 =	simm.s32 $0x108;
	_ =	swait.ge @!p0 [sflag:s8], $0x0  }
0x24: {  	s3 =	sadd.s32 $0x88, s3;
	s6 =	simm.s32 @!p1 $0x1082;
	[sflag:s4] =	ssyncset.s32 $0xFFFFF086  }
0x25: {  	[simem:s6], [sflag:s4] =	dma.local [hbm:s3], $0xF7A  }
0x26: {  	[smem:$0x3F9F] =	sst s1;
	(tag) =	ssettag s2;
	_ =	strace s9  }
0x27: {  	s1 =	sld [smem:$0x3FAF]  }
0x28: {  	s2 =	sld [smem:$0x3FB0]  }
0x29: {  	s4 =	sld [smem:$0x3FB2]  }
0x2a: {  	p0 =	seq.s32 s5, $0x0;
	s5 =	sld [smem:$0x3FB3]  }
0x2b: {  	s6 =	sld [smem:$0x3FB4]  }
0x2c: {  	s7 =	sld [smem:$0x3FB5]  }
0x2d: {  	s3 =	simm.s32 $0x108;
	s8 =	sld [smem:$0x3FB6]  }
0x2e: {  	s3 =	simm.s32 @!p0 $0x1082;
	s9 =	sld [smem:$0x3FB7]  }
0x2f: {  	lr =	sadd.s32 s0, s3;
	s0 =	sld [smem:$0x3FAE]  }
0x30: {  	s3 =	sld [smem:$0x3FB1]  }
0x31: {  	[smem:$0x3FBA] =	sst s10  }
0x32: {  	s10 =	sld [smem:$0x3FB8];
	_ =	sdelay $0x3  }
0x33: {  	p0 =	seq.s32 s10, $0x1;
	s10 =	sld [smem:$0x3FBA];
	_ =	sdelay $0x3  }
0x34: {  	[smem:$0x3FBA] =	sst s10  }
0x35: {  	s10 =	sld [smem:$0x3FB9];
	_ =	sdelay $0x3  }
0x36: {  	p1 =	seq.s32 s10, $0x1;
	s10 =	sld [smem:$0x3FBA];
	_ =	sdelay $0x3  }
0x37: {  	[smem:$0x3FBA] =	sst s10  }
0x38: {  	s10 =	sld [smem:$0x3FBB]  }
0x39: {  	_ = 	snop;
	(pc) =	sbr.ind lr, $3  }
0x3a: {  	_ = 	snop  }
0x3b: {  	_ = 	snop  }
0x3c: {  	p2 =	seq.s32 s10, $0x1;
	s10 =	sld [smem:$0x3FBA]  }
0x3d: {  	_ =	shalt  }
0x3e: {  	_ =	shalt  }
0x3f: {  	_ =	shalt  }
0x40: {  	_ =	shalt  }
0x41: {  	_ =	shalt  }
0x42: {  	_ =	shalt  }
0x43: {  	_ =	shalt  }
0x44: {  	_ =	shalt  }
0x45: {  	_ =	shalt  }
0x46: {  	_ =	shalt  }
0x47: {  	_ =	shalt  }
0x48: {  	_ =	shalt  }
0x49: {  	_ =	shalt  }
0x4a: {  	_ =	shalt  }
0x4b: {  	_ =	shalt  }
0x4c: {  	_ =	shalt  }
0x4d: {  	_ =	shalt  }
0x4e: {  	_ =	shalt  }
0x4f: {  	_ =	shalt  }
0x50: {  	_ =	shalt  }
0x51: {  	_ =	shalt  }
0x52: {  	_ =	shalt  }
0x53: {  	_ =	shalt  }
0x54: {  	_ =	shalt  }
0x55: {  	_ =	shalt  }
0x56: {  	_ =	shalt  }
0x57: {  	_ =	shalt  }
0x58: {  	_ =	shalt  }
0x59: {  	_ =	shalt  }
0x5a: {  	_ =	shalt  }
0x5b: {  	_ =	shalt  }
0x5c: {  	_ =	shalt  }
0x5d: {  	_ =	shalt  }
0x5e: {  	_ =	shalt  }
0x5f: {  	_ =	shalt  }
0x60: {  	_ =	shalt  }
0x61: {  	_ =	shalt  }
0x62: {  	_ =	shalt  }
0x63: {  	_ =	shalt  }
0x64: {  	_ =	shalt  }
0x65: {  	_ =	shalt  }
0x66: {  	_ =	shalt  }
0x67: {  	_ =	shalt  }
0x68: {  	_ =	shalt  }
0x69: {  	_ =	shalt  }
0x6a: {  	_ =	shalt  }
0x6b: {  	_ =	shalt  }
0x6c: {  	_ =	shalt  }
0x6d: {  	_ =	shalt  }
0x6e: {  	_ =	shalt  }
0x6f: {  	_ =	shalt  }
0x70: {  	_ =	shalt  }
0x71: {  	_ =	shalt  }
0x72: {  	_ =	shalt  }
0x73: {  	_ =	shalt  }
0x74: {  	_ =	shalt  }
0x75: {  	_ =	shalt  }
0x76: {  	_ =	shalt  }
0x77: {  	_ =	shalt  }
0x78: {  	_ =	shalt  }
0x79: {  	_ =	shalt  }
0x7a: {  	_ =	shalt  }
0x7b: {  	_ =	shalt  }
0x7c: {  	_ =	shalt  }
0x7d: {  	_ =	shalt  }
0x7e: {  	_ =	shalt  }
0x7f: {  	_ =	shalt  }
0x80: {  	_ =	shalt  }
0x81: {  	_ =	shalt  }
0x82: {  	_ =	shalt  }
0x83: {  	_ =	shalt  }
0x84: {  	_ =	shalt  }
0x85: {  	_ =	shalt  }
0x86: {  	_ =	shalt  }
0x87: {  	_ =	shalt  }
.Lfunc_end0:
.L_simem_size_0:
called_computation_lowered:
.L_overlay_start_0:
0x88: {  	s2 =	sld [smem:$0x3FD9]  }
0x89: {  	s3 =	sld [smem:$0x3FFE];
	_ =	sdelay $0x1  }
0x8a: {  	s1 =	srdreg.scid  }
0x8b: {  	s0 =	sand.u32 $0x1, s1  }
0x8c: {  	s17 =	sshll.u32 s0, $0xA;
	s2 =	sadd.s32 s3, s2  }
0x8d: {  	s2 =	sadd.s32 s2, s17  }
0x8e: {  	[smem:$0x3FC6] =	sst s2  }
0x8f: {  	_ = 	snop  }
0x90: {  	s2 =	sld [smem:$0x3FC8]  }
0x91: {  	s18 =	sld [smem:$0x3FD0];
	(tm) =	ssettm $0x1  }
0x92: {  	s4 =	sld [smem:$0x3FFB];
	_ =	sdelay $0x3  }
0x93: {  	_ =	strace s4  }
0x94: {  	s4 =	sld [smem:$0x3FFC];
	_ =	sdelay $0x3  }
0x95: {  	_ =	strace s4  }
0x96: {  	s4 =	sld [smem:$0x3FFD];
	_ =	sdelay $0x3  }
0x97: {  	_ =	strace s4  }
0x98: {  	_ =	strace $0x8FFFFFFF  }
0x99: {  	s19 =	sld [smem:$0x3FDB];
	_ =	sdelay $0x1  }
0x9a: {  	s5 =	simm.s32 $_scs_section_size  }
0x9b: {  	s6 =	simm.s32 $_size__tile_overlayer_lowered;
	s7 =	simm.s32 $_tile_overlayer_lowered  }
0x9c: {  	s22 =	simm.s32 $0x1BFF;
	s21 =	sshll.u32 s7, $0x1;
	s4 =	sadd.s32 s5, s19  }
0x9d: {  	s8 =	simm.s32 $0x0;
	s20 =	sshll.u32 s6, $0x1;
	s6 =	sadd.s32 s21, s4  }
0x9e: {  	[timem:s8], [sflag:s22] =	dma.local [hbm:s6], s20  }
0x9f: {  	_ =	swait.ge [sflag:s22], s20  }
0xa0: {  	s5 =	ssub.s32 $0x0, s20;
	[sflag:s22] =	ssyncset.done $0x0  }
0xa1: {  	[sflag:s22] =	ssyncadd.s32 s5;
	_ =	sdelay $0x1  }
0xa2: {  	s23 =	simm.s32 $0x1B8B  }
0xa3: {  	_ =	swait.ge [sflag:s23], $0x1  }
0xa4: {  	[sflag:s23] =	ssyncset.done $0x0  }
0xa5: {  	s25 =	simm.s32 $0x1B8E;
	s24 =	sld [smem:$0x3FFE];
	[sflag:s23] =	ssyncadd.s32 $0xFFFFFFFF  }
0xa6: {  	s26 =	simm.s32 $execute0_lowered;
	[smem:$0x3FD2] =	sst s25  }
0xa7: {  	s6 =	sshll.u32 s26, $0x1;
	_ =	strace $0x80000046;
	[dreg:$0x1] =	wrdreg $0xFFFFFFFF  }
0xa8: {  	s28 =	simm.s32 $_size_execute0_lowered;
	s4 =	sadd.s32 s4, s6;
	[dreg:$0x0] =	wrdreg $0x0  }
0xa9: {  	s6 =	sshll.u32 s28, $0x1;
	[dreg:$0x2] =	wrdreg s4  }
0xaa: {  	[dreg:$0x3] =	wrdreg s6  }
0xab: {  	[dreg:$0x4] =	wrdreg $0xC0  }
0xac: {  	_ =	task [dreg:s8], $0x5FFFF  }
0xad: {  	[dreg:$0x1] =	wrdreg $0xFFFFFFFF  }
0xae: {  	[dreg:$0x0] =	wrdreg $0x60  }
0xaf: {  	[dreg:$0x2] =	wrdreg s2  }
0xb0: {  	[dreg:$0x3] =	wrdreg s24  }
0xb1: {  	[dreg:$0x4] =	wrdreg s18  }
0xb2: {  	[dreg:$0x5] =	wrdreg $0x0  }
0xb3: {  	[dreg:$0x6] =	wrdreg $0x9  }
0xb4: {  	_ =	task.clear_ibuf [dreg:s8], $0x7FFFF;
	_ =	strace $0x90000046  }
0xb5: {  	s29 =	simm.s32 $0x9;
	_ =	strace $0x80000048  }
0xb6: {  	_ =	swait.ge [sflag:s29], $0x1  }
0xb7: {  	[sflag:s29] =	ssyncadd.s32 $0xFFFFFFFF  }
0xb8: {  	_ =	strace $0x90000048  }
0xb9: {  	_ =	sfence  }
0xba: {  	s30 =	sld [smem:$0x0];
	_ =	sdelay $0x2  }
0xbb: {  	s31 =	sshll.u32 s1, $0xD;
	s1 =	sshrl.u32 s1, $0x2  }
0xbc: {  	s3 =	sand.u32 $0x4000, s31;
	s1 =	sadd.s32 s1, s30  }
0xbd: {  	s0 =	sor.u32 s3, s0;
	s1 =	sshll.u32 s1, $0x11  }
0xbe: {  	s0 =	sor.u32 s1, s0  }
0xbf: {  	s0 =	sadd.s32 $0x8F2B, s0  }
0xc0: {  	[sflag:s0] =	ssyncadd.remote.s32 $0x1  }
0xc1: {  	_ =	sfence.sel $0xFFFF  }
0xc2: {  	[dreg:$0x0] =	wrdreg $0xFFFFFFFF;
	(pc) =	sbr.abs _section_cstart, $3  }
0xc3: {  	[dreg:$0x1] =	wrdreg $0xFFFFFFFF  }
0xc4: {  	_ =	task.clear_ibuf [dreg:s8], $0x2FFFF;
	_ =	strace $0x9FFFFFFF  }
0xc5: {  	(tm) =	ssettm $0x7FFFFFFF  }
tec
execute0_lowered:
.L_overlay_start_1:
0x0: {  	(tag) =	ssettag $0x1  }
0x1: {  	s0 =	rddreg [dreg:$0x0]  }
0x2: {  	s1 =	rddreg [dreg:$0x1];
	s2 =	srdreg.scid  }
0x3: {  	s17 =	stileid.u32;
	s13 =	rddreg [dreg:$0x2];
	s18 =	simm.s32 $0x3  }
0x4: {  	s19 =	simm.s32 $0x80;
	s20 =	simm.s32 $0x8340;
	s28 =	simm.s32 $0x1  }
0x5: {  	s29 =	simm.s32 $0x2;
	s30 =	simm.s32 $0x0;
	s12 =	sand.u32 $0x1, s2  }
0x6: {  	s3 =	sshll.u32 s17, $0x1;
	s2 =	rddreg [dreg:$0x3];
	s23 =	smul.u32 $0x640000, s17  }
0x7: {  	s21 =	sshll.u32 s17, $0xE;
	s22 =	sshll.u32 s17, $0xB;
	s25 =	smul.u32 $0xC8000, s17  }
0x8: {  	p0 =	sgt.u32 s17, $0x6;
	s5 =	sor.u32 s12, s3;
	s15 =	smul.u32 $0x320000, s12  }
0x9: {  	s3 =	simm.s32 $0x0;
	s6 =	ssub.s32 $0x2, s12;
	s26 =	smul.u32 $0x64000, s12  }
0xa: {  	s14 =	sadd.s32 $0x1C000, s2;
	s16 =	sadd.s32 s21, s2;
	s4 =	smul.u32 $0x6400, s5  }
0xb: {  	p1 =	sne.s32 @p0 s17, $0x7;
	[smem:$0x7FF] =	sst s3;
	s8 =	smul.u32 $0x320000, s5  }
0xc: {  	s7 =	sshrl.u32 s6, $0x1;
	s9 =	smul.u32 $0x64000, s5;
	s5 =	sadd.s32 s0, s22  }
0xd: {  	s31 =	sadd.s32 s25, s13;
	p1 =	por p1, !p0;
	s16 =	sshrl.u32 @!p0 s16, $0x3  }
0xe: {  	s22 =	simm.s32 $0xC340;
	s25 =	simm.s32 $0x20C0;
	_ =	strace $0x80000047  }
0xf: {  	s7 =	ssub.s32 s6, s7;
	s14 =	sshrl.u32 @!p1 s14, $0x3;
	s4 =	sshrl.u32 s4, $0x3  }
0x10: {  	s24 =	sshrl.u32 s8, $0x3;
	s11 =	sadd.s32 s9, s13;
	s7 =	smax.u32 s7, $0x1  }
0x11: {  	s1 =	sadd.s32 s4, s1;
	s4 =	sadd.s32 $0x3800, s0;
	s8 =	sadd.s32 s13, s24  }
0x12: {  	s9 =	sadd.s32 $0x800, s11;
	s10 =	sadd.s32 $0x1000, s11;
	s0 =	sadd.s32 s15, s23  }
0x13: {  	s11 =	sadd.s32 $0x1800, s11;
	s23 =	simm.s32 $0x2040;
	s0 =	sor.u32 $0x10000, s0  }
0x14: {  	s24 =	simm.s32 $0x10340;
	s6 =	sadd.s32 $0x400, s1;
	s0 =	sshrl.u32 s0, $0x3  }
0x15: {  	s12 =	sadd.s32 s0, s13;
	s13 =	sadd.s32 s26, s31;
	s0 =	sshll.u32 @!p0 s17, $0x6  }
0x16: {  	s17 =	simm.s32 $0x1F40;
	s26 =	simm.s32 $0x14340;
	s15 =	sor.u32 @!p0 $0x1C03, s0  }
.LBB2_1:
0x17: {  	s0 =	simm.s32 @!p1 $0x1DC3  }
0x18: {  	[spmem:s14], [sflag:s0] =	dma.local @!p1 [hbm:s4], $0x680  }
0x19: {  	s0 =	simm.s32 @!p1 $0x3  }
0x1a: {  	_ =	swait.ge @!p1 [sflag:s0], $0x680  }
0x1b: {  	[sflag:s0] =	ssyncset.done @!p1 $0x0  }
0x1c: {  	[sflag:s0] =	ssyncadd.s32 @!p1 $0xFFFFF980;
	s0 =	simm.s32 @!p0 $0x3  }
0x1d: {  	[spmem:s16], [sflag:s15] =	dma.local @!p0 [hbm:s5], $0x800  }
0x1e: {  	_ =	swait.ge @!p0 [sflag:s0], $0x800  }
0x1f: {  	[sflag:s0] =	ssyncset.done @!p0 $0x0  }
0x20: {  	[sflag:s0] =	ssyncadd.s32 @!p0 $0xFFFFF800  }
0x21: {  	[tilespmem:s17], [sflag:$0x3] =	stream.linear.gather [hbm4b:s6+s3], $0x6400, $0x38;
	[tilespmem:$0x18340] =	vst v63  }
0x22: {  	_ =	swait.ge [sflag:s18], $0x6400  }
0x23: {  	[sflag:s18] =	ssyncset.done $0x0  }
0x24: {  	[sflag:s18] =	ssyncadd.s32 $0xFFFF9C00  }
0x25: {  	[bflag:$0x0] =	sbarrier.arrive $0xFFFF  }
0x26: {  	[tilespmem:s20], [sflag:$0x1] =	stream.indirect.gather [spmem:s2], $0x80, s17, s19, $0xb8;
	[tilespmem:$0x18340] =	vst v63  }
0x27: {  	s21 =	simm.s32 $0x1FC0  }
0x28: {  	[tilespmem:s22], [sflag:$0x1] =	stream.indirect.gather [spmem:s2], $0x80, s21, s19, $0xb8;
	[tilespmem:$0x18340] =	vst v63  }
0x29: {  	_ = 	snop  }
0x2a: {  	[tilespmem:s24], [sflag:$0x1] =	stream.indirect.gather [spmem:s2], $0x80, s23, s19, $0xb8;
	[tilespmem:$0x18340] =	vst v63  }
0x2b: {  	_ = 	snop  }
0x2c: {  	[tilespmem:s26], [sflag:$0x1] =	stream.indirect.gather [spmem:s2], $0x80, s25, s19, $0xb8;
	[tilespmem:$0x18340] =	vst v63  }
0x2d: {  	_ =	swait.ge [sflag:s28], $0x4000  }
0x2e: {  	[sflag:s28] =	ssyncset.done $0x0  }
0x2f: {  	[sflag:s28] =	ssyncadd.s32 $0xFFFFC000  }
0x30: {  	[hbm4b:s8+s3] =	stream.linear.scatter [tilespmem:s20], [sflag:$0x2], $0x4000, $0x38;
	[tilespmem:$0x18340] =	vst v63  }
0x31: {  	_ =	swait.ge [sflag:s28], $0x4000  }
0x32: {  	[sflag:s28] =	ssyncset.done $0x0  }
0x33: {  	[sflag:s28] =	ssyncadd.s32 $0xFFFFC000  }
0x34: {  	[hbm4b:s9+s3] =	stream.linear.scatter [tilespmem:s22], [sflag:$0x2], $0x4000, $0x38;
	[tilespmem:$0x18340] =	vst v63  }
0x35: {  	_ =	swait.ge [sflag:s28], $0x4000  }
0x36: {  	[sflag:s28] =	ssyncset.done $0x0  }
0x37: {  	[sflag:s28] =	ssyncadd.s32 $0xFFFFC000  }
0x38: {  	[hbm4b:s10+s3] =	stream.linear.scatter [tilespmem:s24], [sflag:$0x2], $0x4000, $0x38;
	[tilespmem:$0x18340] =	vst v63  }
0x39: {  	_ =	swait.ge [sflag:s28], $0x4000  }
0x3a: {  	[sflag:s28] =	ssyncset.done $0x0  }
0x3b: {  	[sflag:s28] =	ssyncadd.s32 $0xFFFFC000  }
0x3c: {  	[hbm4b:s11+s3] =	stream.linear.scatter [tilespmem:s26], [sflag:$0x2], $0x4000, $0x38;
	[tilespmem:$0x18340] =	vst v63  }
0x3d: {  	_ =	swait.ge [sflag:s29], $0x4000  }
0x3e: {  	[sflag:s29] =	ssyncset.done $0x0  }
0x3f: {  	s1 =	simm.s32 $0x2140;
	[sflag:s29] =	ssyncadd.s32 $0xFFFFC000  }
0x40: {  	[tilespmem:s20], [sflag:$0x1] =	stream.indirect.gather [spmem:s2], $0x80, s1, s19, $0xb8;
	[tilespmem:$0x18340] =	vst v63  }
0x41: {  	_ =	swait.ge [sflag:s29], $0x4000  }
0x42: {  	[sflag:s29] =	ssyncset.done $0x0  }
0x43: {  	s21 =	simm.s32 $0x21C0;
	[sflag:s29] =	ssyncadd.s32 $0xFFFFC000  }
0x44: {  	[tilespmem:s22], [sflag:$0x1] =	stream.indirect.gather [spmem:s2], $0x80, s21, s19, $0xb8;
	[tilespmem:$0x18340] =	vst v63  }
0x45: {  	_ =	swait.ge [sflag:s29], $0x4000  }
0x46: {  	[sflag:s29] =	ssyncset.done $0x0  }
0x47: {  	s1 =	simm.s32 $0x2240;
	[sflag:s29] =	ssyncadd.s32 $0xFFFFC000  }
0x48: {  	[tilespmem:s24], [sflag:$0x1] =	stream.indirect.gather [spmem:s2], $0x80, s1, s19, $0xb8;
	[tilespmem:$0x18340] =	vst v63  }
0x49: {  	_ =	swait.ge [sflag:s29], $0x4000  }
0x4a: {  	[sflag:s29] =	ssyncset.done $0x0  }
0x4b: {  	s21 =	simm.s32 $0x22C0;
	[sflag:s29] =	ssyncadd.s32 $0xFFFFC000  }
0x4c: {  	[tilespmem:s26], [sflag:$0x1] =	stream.indirect.gather [spmem:s2], $0x80, s21, s19, $0xb8;
	[tilespmem:$0x18340] =	vst v63  }
0x4d: {  	_ =	swait.ge [sflag:s28], $0x4000  }
0x4e: {  	[sflag:s28] =	ssyncset.done $0x0  }
0x4f: {  	s1 =	sadd.s32 $0x0, s12;
	[sflag:s28] =	ssyncadd.s32 $0xFFFFC000  }
0x50: {  	[hbm4b:s1+s3] =	stream.linear.scatter [tilespmem:s20], [sflag:$0x2], $0x4000, $0x38;
	[tilespmem:$0x18340] =	vst v63  }
0x51: {  	_ =	swait.ge [sflag:s28], $0x4000  }
0x52: {  	s0 =	sadd.s32 $0x0, s13;
	[sflag:s28] =	ssyncset.done $0x0  }
0x53: {  	s1 =	sadd.s32 $0x2800, s0;
	[sflag:s28] =	ssyncadd.s32 $0xFFFFC000  }
0x54: {  	[hbm4b:s1+s3] =	stream.linear.scatter [tilespmem:s22], [sflag:$0x2], $0x4000, $0x38;
	[tilespmem:$0x18340] =	vst v63  }
0x55: {  	_ =	swait.ge [sflag:s28], $0x4000  }
0x56: {  	[sflag:s28] =	ssyncset.done $0x0  }
0x57: {  	s21 =	sadd.s32 $0x3000, s0;
	[sflag:s28] =	ssyncadd.s32 $0xFFFFC000  }
0x58: {  	[hbm4b:s21+s3] =	stream.linear.scatter [tilespmem:s24], [sflag:$0x2], $0x4000, $0x38;
	[tilespmem:$0x18340] =	vst v63  }
0x59: {  	_ =	swait.ge [sflag:s28], $0x4000  }
0x5a: {  	s31 =	simm.s32 $0x2000;
	[sflag:s28] =	ssyncset.done $0x0  }
0x5b: {  	s0 =	sadd.s32 $0x3800, s0;
	s1 =	simm.s32 $0x2340;
	[sflag:s28] =	ssyncadd.s32 $0xFFFFC000  }
.LBB2_2:
0x5c: {  	[hbm4b:s0+s3] =	stream.linear.scatter [tilespmem:s26], [sflag:$0x2], $0x4000, $0x38;
	[tilespmem:$0x18340] =	vst v63  }
0x5d: {  	s0 =	smov.u32 s31  }
0x5e: {  	p2 =	sne.s32 s31, $0x60000;
	s31 =	sadd.s32 $0x2000, s31;
	_ =	swait.ge [sflag:s29], $0x4000  }
0x5f: {  	[sflag:s29] =	ssyncset.done $0x0  }
0x60: {  	[sflag:s29] =	ssyncadd.s32 $0xFFFFC000  }
0x61: {  	[tilespmem:s20], [sflag:$0x1] =	stream.indirect.gather [spmem:s2], $0x80, s1, s19, $0xb8;
	[tilespmem:$0x18340] =	vst v63  }
0x62: {  	_ =	swait.ge [sflag:s29], $0x4000  }
0x63: {  	[sflag:s29] =	ssyncset.done $0x0  }
0x64: {  	s21 =	sadd.s32 $0x80, s1;
	[sflag:s29] =	ssyncadd.s32 $0xFFFFC000  }
0x65: {  	[tilespmem:s22], [sflag:$0x1] =	stream.indirect.gather [spmem:s2], $0x80, s21, s19, $0xb8;
	[tilespmem:$0x18340] =	vst v63  }
0x66: {  	_ =	swait.ge [sflag:s29], $0x4000  }
0x67: {  	[sflag:s29] =	ssyncset.done $0x0  }
0x68: {  	s21 =	sadd.s32 $0x100, s1;
	[sflag:s29] =	ssyncadd.s32 $0xFFFFC000  }
0x69: {  	[tilespmem:s24], [sflag:$0x1] =	stream.indirect.gather [spmem:s2], $0x80, s21, s19, $0xb8;
	[tilespmem:$0x18340] =	vst v63  }
0x6a: {  	_ =	swait.ge [sflag:s29], $0x4000  }
0x6b: {  	[sflag:s29] =	ssyncset.done $0x0  }
0x6c: {  	s21 =	sadd.s32 $0x180, s1;
	[sflag:s29] =	ssyncadd.s32 $0xFFFFC000  }
0x6d: {  	[tilespmem:s26], [sflag:$0x1] =	stream.indirect.gather [spmem:s2], $0x80, s21, s19, $0xb8;
	[tilespmem:$0x18340] =	vst v63  }
0x6e: {  	_ =	swait.ge [sflag:s28], $0x4000  }
0x6f: {  	[sflag:s28] =	ssyncset.done $0x0  }
0x70: {  	s21 =	sadd.s32 s0, s12;
	[sflag:s28] =	ssyncadd.s32 $0xFFFFC000  }
0x71: {  	[hbm4b:s21+s3] =	stream.linear.scatter [tilespmem:s20], [sflag:$0x2], $0x4000, $0x38;
	[tilespmem:$0x18340] =	vst v63  }
0x72: {  	_ =	swait.ge [sflag:s28], $0x4000  }
0x73: {  	s0 =	sadd.s32 s0, s13;
	[sflag:s28] =	ssyncset.done $0x0  }
0x74: {  	s21 =	sadd.s32 $0x2800, s0;
	[sflag:s28] =	ssyncadd.s32 $0xFFFFC000  }
0x75: {  	[hbm4b:s21+s3] =	stream.linear.scatter [tilespmem:s22], [sflag:$0x2], $0x4000, $0x38;
	[tilespmem:$0x18340] =	vst v63  }
0x76: {  	_ =	swait.ge [sflag:s28], $0x4000  }
0x77: {  	[sflag:s28] =	ssyncset.done $0x0  }
.Ltmp0:
0x78: {  	s21 =	sadd.s32 $0x3000, s0;
	[sflag:s28] =	ssyncadd.s32 $0xFFFFC000;
	(pc) =	sbr.rel @p2 .LBB2_2-.Ltmp0, $4  }
0x79: {  	[hbm4b:s21+s3] =	stream.linear.scatter [tilespmem:s24], [sflag:$0x2], $0x4000, $0x38;
	[tilespmem:$0x18340] =	vst v63  }
0x7a: {  	_ =	swait.ge [sflag:s28], $0x4000  }
0x7b: {  	[sflag:s28] =	ssyncset.done $0x0  }
0x7c: {  	s1 =	sadd.s32 $0x200, s1;
	s0 =	sadd.s32 $0x3800, s0;
	[sflag:s28] =	ssyncadd.s32 $0xFFFFC000  }
0x7d: {  	[hbm4b:s0+s3] =	stream.linear.scatter [tilespmem:s26], [sflag:$0x2], $0x4000, $0x38;
	[tilespmem:$0x18340] =	vst v63  }
0x7e: {  	_ =	swait.ge [sflag:s29], $0x4000  }
0x7f: {  	[sflag:s29] =	ssyncset.done $0x0  }
0x80: {  	[sflag:s29] =	ssyncadd.s32 $0xFFFFC000  }
0x81: {  	_ =	swait.ge [sflag:s29], $0x4000  }
0x82: {  	[sflag:s29] =	ssyncset.done $0x0  }
0x83: {  	s30 =	sadd.s32 $0x1, s30;
	[sflag:s29] =	ssyncadd.s32 $0xFFFFC000  }
0x84: {  	p2 =	sne.s32 s30, s7;
	_ =	swait.ge [sflag:s29], $0x4000  }
.Ltmp1:
0x85: {  	[sflag:s29] =	ssyncset.done $0x0;
	(pc) =	sbr.rel @p2 .LBB2_1-.Ltmp1, $4  }
0x86: {  	[sflag:s29] =	ssyncadd.s32 $0xFFFFC000  }
0x87: {  	_ =	swait.ge [sflag:s29], $0x4000  }
0x88: {  	[sflag:s29] =	ssyncset.done $0x0  }
0x89: {  	[sflag:s29] =	ssyncadd.s32 $0xFFFFC000  }
0x8a: {  	_ =	sfence.sel $0x180000  }
0x8b: {  	[bflag:$0x0] =	sbarrier.arrive $0xFFFF  }
0x8c: {  	_ =	strace $0x90000047  }
0x8d: {  	s0 =	stileid.u32;
	[bflag:$0x2] =	sbarrier.arrive $0xFFFF  }
0x8e: {  	p0 =	sne.s32 s0, $0x0;
	s0 =	rddreg [dreg:$0x4]  }
0x8f: {  	s0 =	sadd.s32 @!p0 $0x100000, s0  }
0x90: {  	[sflag:s0] =	ssyncadd.tile.s32 @!p0 $0x1;
	_ =	shalt  }
.Lfunc_end2:
_tile_overlayer_lowered:
.L_overlay_start_2:
0x91: {  	(tag) =	ssettag $0x2  }
0x92: {  	s0 =	rddreg [dreg:$0x0];
	s2 =	stileid.u32  }
0x93: {  	s1 =	rddreg [dreg:$0x1];
	p0 =	sne.s32 s2, $0x0  }
0x94: {  	s3 =	rddreg [dreg:$0x2];
	[bflag:$0x3] =	sbarrier.arrive $0xFFFF;
	s2 =	simm.s32 @!p0 $0x1C03  }
0x95: {  	[timem:s3], [sflag:s2] =	dma.local @!p0 [hbm:s0], s1  }
0x96: {  	s0 =	simm.s32 @!p0 $0x3  }
0x97: {  	_ =	swait.ge @!p0 [sflag:s0], s1  }
0x98: {  	s1 =	ssub.s32 @!p0 $0x0, s1;
	[sflag:s0] =	ssyncset.done @!p0 $0x0  }
0x99: {  	[sflag:s0] =	ssyncadd.s32 @!p0 s1  }
0x9a: {  	[bflag:$0x3] =	sbarrier.arrive $0xFFFF  }
0x9b: {  	_ =	shalt  }

</sc_bundles>
